<compile_context>
chip_gen: v7x
topology: tpu7x:2x2x1
jax: 0.10.2.dev20260603
libtpu: 0.0.44.dev20260713+nightly
codegen_flags: <defaults>
</compile_context>

<pallas_src>
import functools

import jax
import jax.numpy as jnp
from jax import lax
from jax.experimental import pallas as pl
from jax.experimental.pallas import tpu as pltpu
from jax.experimental.pallas import tpu_sc as plsc

_BETA = 0.25
_CODE_CHUNK = 4096
_ROW_TILE = 512


def _assign_body(inv_nd, z_ref, cbt_ref, esq_ref, idx_ref, loss_ref, acc_ref):
    z = z_ref[...]
    r = z.shape[0]
    ncodes = cbt_ref.shape[1]
    z_sq = jnp.sum(z * z, axis=1, keepdims=True)

    run_min = jnp.full((r, 1), jnp.inf, dtype=jnp.float32)
    run_idx = jnp.zeros((r, 1), dtype=jnp.int32)
    true_min = jnp.full((r, 1), jnp.inf, dtype=jnp.float32)
    lane_f = lax.broadcasted_iota(
        jnp.int32, (r, _CODE_CHUNK), 1).astype(jnp.float32)
    for c in range(ncodes // _CODE_CHUNK):
        cbt_c = cbt_ref[:, pl.ds(c * _CODE_CHUNK, _CODE_CHUNK)]
        e_sq = esq_ref[:, pl.ds(c * _CODE_CHUNK, _CODE_CHUNK)]
        ze = lax.dot_general(z, cbt_c, (((1,), (0,)), ((), ())),
                             preferred_element_type=jnp.float32)
        dist = (z_sq - 2.0 * ze) + e_sq
        m = jnp.min(dist, axis=1, keepdims=True)
        i_f = jnp.min(jnp.where(dist == m, lane_f, float(_CODE_CHUNK)),
                      axis=1, keepdims=True)
        i_c = i_f.astype(jnp.int32) + c * _CODE_CHUNK
        keep = (run_min < m) | ((run_min == m) & (run_idx < i_c))
        run_idx = jnp.where(keep, run_idx, i_c)
        sel = jnp.where(keep, run_min, m)
        run_min = sel.astype(jnp.bfloat16).astype(jnp.float32)
        true_min = jnp.minimum(true_min, m)

    idx_ref[...] = run_idx
    step = pl.program_id(0)

    @pl.when(step == 0)
    def _():
        acc_ref[0] = 0.0

    acc_ref[0] += jnp.sum(true_min)

    @pl.when(step == pl.num_programs(0) - 1)
    def _():
        loss_ref[...] = jnp.broadcast_to(
            acc_ref[0] * ((1.0 + _BETA) * inv_nd), (1, 1))


def _assign(z_flat, cbt, e_sq):
    n_rows, d = z_flat.shape
    ncodes = cbt.shape[1]
    body = functools.partial(_assign_body, 1.0 / float(n_rows * d))
    idx, loss = pl.pallas_call(
        body,
        grid=(n_rows // _ROW_TILE,),
        in_specs=[
            pl.BlockSpec((_ROW_TILE, d), lambda i: (i, 0)),
            pl.BlockSpec((d, ncodes), lambda i: (0, 0)),
            pl.BlockSpec((1, ncodes), lambda i: (0, 0)),
        ],
        out_specs=[
            pl.BlockSpec((_ROW_TILE, 1), lambda i: (i, 0)),
            pl.BlockSpec((1, 1), lambda i: (0, 0)),
        ],
        out_shape=[
            jax.ShapeDtypeStruct((n_rows, 1), jnp.int32),
            jax.ShapeDtypeStruct((1, 1), jnp.float32),
        ],
        scratch_shapes=[pltpu.SMEM((1,), jnp.float32)],
    )(z_flat, cbt, e_sq)
    return idx.reshape(n_rows), loss.reshape(())


def _gather_zq(codebook, idx_flat):
    b_total = idx_flat.shape[0]
    d = codebook.shape[1]
    info = plsc.get_sparse_core_info()
    nc = info.num_cores
    nw = nc * info.num_subcores
    chunk = 128
    n_chunks = b_total // (nw * chunk)
    mesh = plsc.VectorSubcoreMesh(core_axis_name="c", subcore_axis_name="s")

    @functools.partial(
        pl.kernel,
        mesh=mesh,
        compiler_params=pltpu.CompilerParams(use_tc_tiling_on_sc=False),
        out_type=jax.ShapeDtypeStruct((b_total, d), jnp.float32),
        scratch_types=[
            pltpu.VMEM((n_chunks, chunk), jnp.int32),
            pltpu.VMEM((chunk, d), jnp.float32),
            pltpu.SemaphoreType.DMA,
        ],
    )
    def gather_k(table_hbm, idx_hbm, out_hbm, idx_v, rows_v, sem):
        wid = lax.axis_index("s") * nc + lax.axis_index("c")
        pltpu.sync_copy(idx_hbm.at[pl.ds(wid * n_chunks, n_chunks)], idx_v)
        for j in range(n_chunks):
            pltpu.async_copy(table_hbm.at[idx_v.at[j]], rows_v, sem).wait()
            pltpu.sync_copy(
                rows_v, out_hbm.at[pl.ds((wid * n_chunks + j) * chunk, chunk)])

    return gather_k(codebook, idx_flat.reshape(b_total // chunk, chunk))


def kernel(z_e, codebook):
    b, n, d = z_e.shape
    z_flat = z_e.reshape(b * n, d)
    e_sq = jnp.sum(codebook * codebook, axis=1, keepdims=True).T
    idx_flat, vq_loss = _assign(z_flat, codebook.T, e_sq)
    z_q = _gather_zq(codebook, idx_flat).reshape(b, n, d)
    z_q_st = z_e + lax.stop_gradient(z_q - z_e)
    return (z_q_st, vq_loss, idx_flat.reshape(b, n))

# --- scband reference (transcript-rebuilt; emitter-appended) ---
"""Pipeline reference for scband-vector-quantizer-44702019617299 (READ-ONLY COPY).

The authoritative reference and input builder live on the scoring server;
editing this copy changes nothing except your own understanding.
"""

import jax, jax.numpy as jnp
import numpy as np

NUM_CODES = 8192
CODE_DIM = 32
BETA = 0.25

def setup_inputs(seed: int = 0) -> dict:
    key = jax.random.key(seed)
    k1, k2 = jax.random.split(key)
    z_e = jax.random.normal(k1, (16, 1024, CODE_DIM), dtype=jnp.float32)
    codebook = jax.random.uniform(k2, (NUM_CODES, CODE_DIM), dtype=jnp.float32, minval=-1.0 / NUM_CODES, maxval=1.0 / NUM_CODES)
    return {"z_e": z_e, "codebook": codebook}

def reference(z_e, codebook):
    b, n, d = z_e.shape
    z_flat = z_e.reshape(-1, d)
    z_sq = jnp.sum(z_flat * z_flat, axis=1, keepdims=True)
    e_sq = jnp.sum(codebook * codebook, axis=1, keepdims=True).T
    ze = z_flat @ codebook.T
    dist = z_sq - 2.0 * ze + e_sq
    codes_idx = jnp.argmin(dist, axis=1)
    z_q = jnp.take(codebook, codes_idx, axis=0).reshape(b, n, d)
    z_q_st = z_e + jax.lax.stop_gradient(z_q - z_e)
    vq_loss = jnp.mean((jax.lax.stop_gradient(z_q) - z_e) ** 2) + BETA * jnp.mean((z_q - jax.lax.stop_gradient(z_e)) ** 2)
    return (z_q_st, vq_loss, codes_idx.reshape(b, n))

if __name__ == "__main__":
    import jax
    _d = setup_inputs()
    print(jax.jit(kernel)(*tuple(_d.values())))

</pallas_src>

<mosaic_0001>
#map = affine_map<(d0, d1) -> (0, 0)>
module attributes {stable_mosaic.version = 14 : i64} {
  func.func @gather_k(%arg0: i32, %arg1: i32, %arg2: memref<8192x32xf32, #tpu.memory_space<hbm>>, %arg3: memref<128x128xi32, #tpu.memory_space<hbm>>, %arg4: memref<16384x32xf32, #tpu.memory_space<hbm>>, %arg5: memref<4x128xi32, #tpu.memory_space<vmem>>, %arg6: memref<128x32xf32, #tpu.memory_space<vmem>>, %arg7: memref<!tpu.dma_semaphore, #tpu.memory_space<semaphore_mem>>) attributes {dimension_semantics = [#tpu.dimension_semantics<core_parallel>, #tpu.dimension_semantics<subcore_parallel>], iteration_bounds = array<i64: 2, 16>, scalar_prefetch = 0 : i64, scratch_operands = 3 : i64, tpu.core_type = #tpu.core_type<sc_vector_subcore>, window_params = [{transform_indices = #map}, {transform_indices = #map}, {transform_indices = #map}]} {
    %mul3A = arith.constant 2 : i32
    %mul3A_0 = arith.muli %arg1, %mul3A : i32
    %add3A = arith.addi %mul3A_0, %arg0 : i32
    %mul3A_1 = arith.constant 4 : i32
    %mul3A_2 = arith.muli %add3A, %mul3A_1 : i32
    "tpu.region"() ({
      %run_scoped3A = tpu.sem_alloc : memref<!tpu.dma_semaphore, #tpu.memory_space<semaphore_mem>>
      %dma_start3A_81 = arith.constant 0 : i32
      %dma_start3A_82 = tpu.memref_slice %arg3[%mul3A_2, %dma_start3A_81] : memref<128x128xi32, #tpu.memory_space<hbm>> -> memref<4x128xi32, #tpu.memory_space<hbm>>
      %dma_start3A_83 = arith.constant 0 : i32
      %dma_start3A_84 = tpu.memref_slice %arg3[%mul3A_2, %dma_start3A_83] : memref<128x128xi32, #tpu.memory_space<hbm>> -> memref<4x128xi32, #tpu.memory_space<hbm>>
      tpu.enqueue_dma source(%dma_start3A_84 : memref<4x128xi32, #tpu.memory_space<hbm>>) target(%arg5 : memref<4x128xi32, #tpu.memory_space<vmem>>) target_semaphore(%run_scoped3A : memref<!tpu.dma_semaphore, #tpu.memory_space<semaphore_mem>>)
      %dma_wait3A_85 = arith.constant 0 : i32
      %dma_wait3A_86 = tpu.memref_slice %arg3[%mul3A_2, %dma_wait3A_85] : memref<128x128xi32, #tpu.memory_space<hbm>> -> memref<4x128xi32, #tpu.memory_space<hbm>>
      %dma_wait3A_87 = arith.constant 0 : i32
      %dma_wait3A_88 = tpu.memref_slice %arg3[%mul3A_2, %dma_wait3A_87] : memref<128x128xi32, #tpu.memory_space<hbm>> -> memref<4x128xi32, #tpu.memory_space<hbm>>
      tpu.wait_dma2 semaphore(%run_scoped3A : memref<!tpu.dma_semaphore, #tpu.memory_space<semaphore_mem>>) src(%dma_wait3A_88 : memref<4x128xi32, #tpu.memory_space<hbm>>) dst(%arg5 : memref<4x128xi32, #tpu.memory_space<vmem>>)
      tpu.yield
    }) : () -> ()
    %dma_start3A = arith.constant 0 : i32
    %dma_start3A_3 = arith.constant 0 : i32
    %dma_start3A_4 = tpu.memref_slice %arg5[%dma_start3A, %dma_start3A_3] : memref<4x128xi32, #tpu.memory_space<vmem>> -> memref<1x128xi32, #tpu.memory_space<vmem>>
    %dma_start3A_5 = tpu.memref_squeeze %dma_start3A_4 : memref<1x128xi32, #tpu.memory_space<vmem>> -> memref<128xi32, #tpu.memory_space<vmem>>
    %dma_start3A_6 = arith.constant 0 : i32
    %dma_start3A_7 = arith.constant 0 : i32
    %dma_start3A_8 = tpu.memref_slice %arg2[%dma_start3A_6, %dma_start3A_7] : memref<8192x32xf32, #tpu.memory_space<hbm>> -> memref<8192x32xf32, #tpu.memory_space<hbm>>
    tpu.enqueue_indirect_dma source(%dma_start3A_8 : memref<8192x32xf32, #tpu.memory_space<hbm>>) target(%arg6 : memref<128x32xf32, #tpu.memory_space<vmem>>) offsets(%dma_start3A_5 : memref<128xi32, #tpu.memory_space<vmem>>) semaphore(%arg7 : memref<!tpu.dma_semaphore, #tpu.memory_space<semaphore_mem>>)
    %dma_wait3A = arith.constant 0 : i32
    %dma_wait3A_9 = arith.constant 0 : i32
    %dma_wait3A_10 = tpu.memref_slice %arg5[%dma_wait3A, %dma_wait3A_9] : memref<4x128xi32, #tpu.memory_space<vmem>> -> memref<1x128xi32, #tpu.memory_space<vmem>>
    %dma_wait3A_11 = tpu.memref_squeeze %dma_wait3A_10 : memref<1x128xi32, #tpu.memory_space<vmem>> -> memref<128xi32, #tpu.memory_space<vmem>>
    %dma_wait3A_12 = arith.constant 0 : i32
    %dma_wait3A_13 = arith.constant 0 : i32
    %dma_wait3A_14 = tpu.memref_slice %arg2[%dma_wait3A_12, %dma_wait3A_13] : memref<8192x32xf32, #tpu.memory_space<hbm>> -> memref<8192x32xf32, #tpu.memory_space<hbm>>
    tpu.wait_indirect_dma semaphore(%arg7 : memref<!tpu.dma_semaphore, #tpu.memory_space<semaphore_mem>>) src(%dma_wait3A_14 : memref<8192x32xf32, #tpu.memory_space<hbm>>) dst(%arg6 : memref<128x32xf32, #tpu.memory_space<vmem>>)
    %mul3A_15 = arith.constant 4 : i32
    %mul3A_16 = arith.muli %add3A, %mul3A_15 : i32
    %add3A_17 = arith.constant 0 : i32
    %add3A_18 = arith.addi %mul3A_16, %add3A_17 : i32
    %mul3A_19 = arith.constant 128 : i32
    %mul3A_20 = arith.muli %add3A_18, %mul3A_19 : i32
    "tpu.region"() ({
      %run_scoped3A = tpu.sem_alloc : memref<!tpu.dma_semaphore, #tpu.memory_space<semaphore_mem>>
      %dma_start3A_81 = arith.constant 0 : i32
      %dma_start3A_82 = tpu.memref_slice %arg4[%mul3A_20, %dma_start3A_81] : memref<16384x32xf32, #tpu.memory_space<hbm>> -> memref<128x32xf32, #tpu.memory_space<hbm>>
      %dma_start3A_83 = arith.constant 0 : i32
      %dma_start3A_84 = tpu.memref_slice %arg4[%mul3A_20, %dma_start3A_83] : memref<16384x32xf32, #tpu.memory_space<hbm>> -> memref<128x32xf32, #tpu.memory_space<hbm>>
      tpu.enqueue_dma source(%arg6 : memref<128x32xf32, #tpu.memory_space<vmem>>) target(%dma_start3A_84 : memref<128x32xf32, #tpu.memory_space<hbm>>) target_semaphore(%run_scoped3A : memref<!tpu.dma_semaphore, #tpu.memory_space<semaphore_mem>>)
      %dma_wait3A_85 = arith.constant 0 : i32
      %dma_wait3A_86 = tpu.memref_slice %arg4[%mul3A_20, %dma_wait3A_85] : memref<16384x32xf32, #tpu.memory_space<hbm>> -> memref<128x32xf32, #tpu.memory_space<hbm>>
      %dma_wait3A_87 = arith.constant 0 : i32
      %dma_wait3A_88 = tpu.memref_slice %arg4[%mul3A_20, %dma_wait3A_87] : memref<16384x32xf32, #tpu.memory_space<hbm>> -> memref<128x32xf32, #tpu.memory_space<hbm>>
      tpu.wait_dma2 semaphore(%run_scoped3A : memref<!tpu.dma_semaphore, #tpu.memory_space<semaphore_mem>>) src(%arg6 : memref<128x32xf32, #tpu.memory_space<vmem>>) dst(%dma_wait3A_88 : memref<128x32xf32, #tpu.memory_space<hbm>>)
      tpu.yield
    }) : () -> ()
    %dma_start3A_21 = arith.constant 1 : i32
    %dma_start3A_22 = arith.constant 0 : i32
    %dma_start3A_23 = tpu.memref_slice %arg5[%dma_start3A_21, %dma_start3A_22] : memref<4x128xi32, #tpu.memory_space<vmem>> -> memref<1x128xi32, #tpu.memory_space<vmem>>
    %dma_start3A_24 = tpu.memref_squeeze %dma_start3A_23 : memref<1x128xi32, #tpu.memory_space<vmem>> -> memref<128xi32, #tpu.memory_space<vmem>>
    %dma_start3A_25 = arith.constant 0 : i32
    %dma_start3A_26 = arith.constant 0 : i32
    %dma_start3A_27 = tpu.memref_slice %arg2[%dma_start3A_25, %dma_start3A_26] : memref<8192x32xf32, #tpu.memory_space<hbm>> -> memref<8192x32xf32, #tpu.memory_space<hbm>>
    tpu.enqueue_indirect_dma source(%dma_start3A_27 : memref<8192x32xf32, #tpu.memory_space<hbm>>) target(%arg6 : memref<128x32xf32, #tpu.memory_space<vmem>>) offsets(%dma_start3A_24 : memref<128xi32, #tpu.memory_space<vmem>>) semaphore(%arg7 : memref<!tpu.dma_semaphore, #tpu.memory_space<semaphore_mem>>)
    %dma_wait3A_28 = arith.constant 1 : i32
    %dma_wait3A_29 = arith.constant 0 : i32
    %dma_wait3A_30 = tpu.memref_slice %arg5[%dma_wait3A_28, %dma_wait3A_29] : memref<4x128xi32, #tpu.memory_space<vmem>> -> memref<1x128xi32, #tpu.memory_space<vmem>>
    %dma_wait3A_31 = tpu.memref_squeeze %dma_wait3A_30 : memref<1x128xi32, #tpu.memory_space<vmem>> -> memref<128xi32, #tpu.memory_space<vmem>>
    %dma_wait3A_32 = arith.constant 0 : i32
    %dma_wait3A_33 = arith.constant 0 : i32
    %dma_wait3A_34 = tpu.memref_slice %arg2[%dma_wait3A_32, %dma_wait3A_33] : memref<8192x32xf32, #tpu.memory_space<hbm>> -> memref<8192x32xf32, #tpu.memory_space<hbm>>
    tpu.wait_indirect_dma semaphore(%arg7 : memref<!tpu.dma_semaphore, #tpu.memory_space<semaphore_mem>>) src(%dma_wait3A_34 : memref<8192x32xf32, #tpu.memory_space<hbm>>) dst(%arg6 : memref<128x32xf32, #tpu.memory_space<vmem>>)
    %mul3A_35 = arith.constant 4 : i32
    %mul3A_36 = arith.muli %add3A, %mul3A_35 : i32
    %add3A_37 = arith.constant 1 : i32
    %add3A_38 = arith.addi %mul3A_36, %add3A_37 : i32
    %mul3A_39 = arith.constant 128 : i32
    %mul3A_40 = arith.muli %add3A_38, %mul3A_39 : i32
    "tpu.region"() ({
      %run_scoped3A = tpu.sem_alloc : memref<!tpu.dma_semaphore, #tpu.memory_space<semaphore_mem>>
      %dma_start3A_81 = arith.constant 0 : i32
      %dma_start3A_82 = tpu.memref_slice %arg4[%mul3A_40, %dma_start3A_81] : memref<16384x32xf32, #tpu.memory_space<hbm>> -> memref<128x32xf32, #tpu.memory_space<hbm>>
      %dma_start3A_83 = arith.constant 0 : i32
      %dma_start3A_84 = tpu.memref_slice %arg4[%mul3A_40, %dma_start3A_83] : memref<16384x32xf32, #tpu.memory_space<hbm>> -> memref<128x32xf32, #tpu.memory_space<hbm>>
      tpu.enqueue_dma source(%arg6 : memref<128x32xf32, #tpu.memory_space<vmem>>) target(%dma_start3A_84 : memref<128x32xf32, #tpu.memory_space<hbm>>) target_semaphore(%run_scoped3A : memref<!tpu.dma_semaphore, #tpu.memory_space<semaphore_mem>>)
      %dma_wait3A_85 = arith.constant 0 : i32
      %dma_wait3A_86 = tpu.memref_slice %arg4[%mul3A_40, %dma_wait3A_85] : memref<16384x32xf32, #tpu.memory_space<hbm>> -> memref<128x32xf32, #tpu.memory_space<hbm>>
      %dma_wait3A_87 = arith.constant 0 : i32
      %dma_wait3A_88 = tpu.memref_slice %arg4[%mul3A_40, %dma_wait3A_87] : memref<16384x32xf32, #tpu.memory_space<hbm>> -> memref<128x32xf32, #tpu.memory_space<hbm>>
      tpu.wait_dma2 semaphore(%run_scoped3A : memref<!tpu.dma_semaphore, #tpu.memory_space<semaphore_mem>>) src(%arg6 : memref<128x32xf32, #tpu.memory_space<vmem>>) dst(%dma_wait3A_88 : memref<128x32xf32, #tpu.memory_space<hbm>>)
      tpu.yield
    }) : () -> ()
    %dma_start3A_41 = arith.constant 2 : i32
    %dma_start3A_42 = arith.constant 0 : i32
    %dma_start3A_43 = tpu.memref_slice %arg5[%dma_start3A_41, %dma_start3A_42] : memref<4x128xi32, #tpu.memory_space<vmem>> -> memref<1x128xi32, #tpu.memory_space<vmem>>
    %dma_start3A_44 = tpu.memref_squeeze %dma_start3A_43 : memref<1x128xi32, #tpu.memory_space<vmem>> -> memref<128xi32, #tpu.memory_space<vmem>>
    %dma_start3A_45 = arith.constant 0 : i32
    %dma_start3A_46 = arith.constant 0 : i32
    %dma_start3A_47 = tpu.memref_slice %arg2[%dma_start3A_45, %dma_start3A_46] : memref<8192x32xf32, #tpu.memory_space<hbm>> -> memref<8192x32xf32, #tpu.memory_space<hbm>>
    tpu.enqueue_indirect_dma source(%dma_start3A_47 : memref<8192x32xf32, #tpu.memory_space<hbm>>) target(%arg6 : memref<128x32xf32, #tpu.memory_space<vmem>>) offsets(%dma_start3A_44 : memref<128xi32, #tpu.memory_space<vmem>>) semaphore(%arg7 : memref<!tpu.dma_semaphore, #tpu.memory_space<semaphore_mem>>)
    %dma_wait3A_48 = arith.constant 2 : i32
    %dma_wait3A_49 = arith.constant 0 : i32
    %dma_wait3A_50 = tpu.memref_slice %arg5[%dma_wait3A_48, %dma_wait3A_49] : memref<4x128xi32, #tpu.memory_space<vmem>> -> memref<1x128xi32, #tpu.memory_space<vmem>>
    %dma_wait3A_51 = tpu.memref_squeeze %dma_wait3A_50 : memref<1x128xi32, #tpu.memory_space<vmem>> -> memref<128xi32, #tpu.memory_space<vmem>>
    %dma_wait3A_52 = arith.constant 0 : i32
    %dma_wait3A_53 = arith.constant 0 : i32
    %dma_wait3A_54 = tpu.memref_slice %arg2[%dma_wait3A_52, %dma_wait3A_53] : memref<8192x32xf32, #tpu.memory_space<hbm>> -> memref<8192x32xf32, #tpu.memory_space<hbm>>
    tpu.wait_indirect_dma semaphore(%arg7 : memref<!tpu.dma_semaphore, #tpu.memory_space<semaphore_mem>>) src(%dma_wait3A_54 : memref<8192x32xf32, #tpu.memory_space<hbm>>) dst(%arg6 : memref<128x32xf32, #tpu.memory_space<vmem>>)
    %mul3A_55 = arith.constant 4 : i32
    %mul3A_56 = arith.muli %add3A, %mul3A_55 : i32
    %add3A_57 = arith.constant 2 : i32
    %add3A_58 = arith.addi %mul3A_56, %add3A_57 : i32
    %mul3A_59 = arith.constant 128 : i32
    %mul3A_60 = arith.muli %add3A_58, %mul3A_59 : i32
    "tpu.region"() ({
      %run_scoped3A = tpu.sem_alloc : memref<!tpu.dma_semaphore, #tpu.memory_space<semaphore_mem>>
      %dma_start3A_81 = arith.constant 0 : i32
      %dma_start3A_82 = tpu.memref_slice %arg4[%mul3A_60, %dma_start3A_81] : memref<16384x32xf32, #tpu.memory_space<hbm>> -> memref<128x32xf32, #tpu.memory_space<hbm>>
      %dma_start3A_83 = arith.constant 0 : i32
      %dma_start3A_84 = tpu.memref_slice %arg4[%mul3A_60, %dma_start3A_83] : memref<16384x32xf32, #tpu.memory_space<hbm>> -> memref<128x32xf32, #tpu.memory_space<hbm>>
      tpu.enqueue_dma source(%arg6 : memref<128x32xf32, #tpu.memory_space<vmem>>) target(%dma_start3A_84 : memref<128x32xf32, #tpu.memory_space<hbm>>) target_semaphore(%run_scoped3A : memref<!tpu.dma_semaphore, #tpu.memory_space<semaphore_mem>>)
      %dma_wait3A_85 = arith.constant 0 : i32
      %dma_wait3A_86 = tpu.memref_slice %arg4[%mul3A_60, %dma_wait3A_85] : memref<16384x32xf32, #tpu.memory_space<hbm>> -> memref<128x32xf32, #tpu.memory_space<hbm>>
      %dma_wait3A_87 = arith.constant 0 : i32
      %dma_wait3A_88 = tpu.memref_slice %arg4[%mul3A_60, %dma_wait3A_87] : memref<16384x32xf32, #tpu.memory_space<hbm>> -> memref<128x32xf32, #tpu.memory_space<hbm>>
      tpu.wait_dma2 semaphore(%run_scoped3A : memref<!tpu.dma_semaphore, #tpu.memory_space<semaphore_mem>>) src(%arg6 : memref<128x32xf32, #tpu.memory_space<vmem>>) dst(%dma_wait3A_88 : memref<128x32xf32, #tpu.memory_space<hbm>>)
      tpu.yield
    }) : () -> ()
    %dma_start3A_61 = arith.constant 3 : i32
    %dma_start3A_62 = arith.constant 0 : i32
    %dma_start3A_63 = tpu.memref_slice %arg5[%dma_start3A_61, %dma_start3A_62] : memref<4x128xi32, #tpu.memory_space<vmem>> -> memref<1x128xi32, #tpu.memory_space<vmem>>
    %dma_start3A_64 = tpu.memref_squeeze %dma_start3A_63 : memref<1x128xi32, #tpu.memory_space<vmem>> -> memref<128xi32, #tpu.memory_space<vmem>>
    %dma_start3A_65 = arith.constant 0 : i32
    %dma_start3A_66 = arith.constant 0 : i32
    %dma_start3A_67 = tpu.memref_slice %arg2[%dma_start3A_65, %dma_start3A_66] : memref<8192x32xf32, #tpu.memory_space<hbm>> -> memref<8192x32xf32, #tpu.memory_space<hbm>>
    tpu.enqueue_indirect_dma source(%dma_start3A_67 : memref<8192x32xf32, #tpu.memory_space<hbm>>) target(%arg6 : memref<128x32xf32, #tpu.memory_space<vmem>>) offsets(%dma_start3A_64 : memref<128xi32, #tpu.memory_space<vmem>>) semaphore(%arg7 : memref<!tpu.dma_semaphore, #tpu.memory_space<semaphore_mem>>)
    %dma_wait3A_68 = arith.constant 3 : i32
    %dma_wait3A_69 = arith.constant 0 : i32
    %dma_wait3A_70 = tpu.memref_slice %arg5[%dma_wait3A_68, %dma_wait3A_69] : memref<4x128xi32, #tpu.memory_space<vmem>> -> memref<1x128xi32, #tpu.memory_space<vmem>>
    %dma_wait3A_71 = tpu.memref_squeeze %dma_wait3A_70 : memref<1x128xi32, #tpu.memory_space<vmem>> -> memref<128xi32, #tpu.memory_space<vmem>>
    %dma_wait3A_72 = arith.constant 0 : i32
    %dma_wait3A_73 = arith.constant 0 : i32
    %dma_wait3A_74 = tpu.memref_slice %arg2[%dma_wait3A_72, %dma_wait3A_73] : memref<8192x32xf32, #tpu.memory_space<hbm>> -> memref<8192x32xf32, #tpu.memory_space<hbm>>
    tpu.wait_indirect_dma semaphore(%arg7 : memref<!tpu.dma_semaphore, #tpu.memory_space<semaphore_mem>>) src(%dma_wait3A_74 : memref<8192x32xf32, #tpu.memory_space<hbm>>) dst(%arg6 : memref<128x32xf32, #tpu.memory_space<vmem>>)
    %mul3A_75 = arith.constant 4 : i32
    %mul3A_76 = arith.muli %add3A, %mul3A_75 : i32
    %add3A_77 = arith.constant 3 : i32
    %add3A_78 = arith.addi %mul3A_76, %add3A_77 : i32
    %mul3A_79 = arith.constant 128 : i32
    %mul3A_80 = arith.muli %add3A_78, %mul3A_79 : i32
    "tpu.region"() ({
      %run_scoped3A = tpu.sem_alloc : memref<!tpu.dma_semaphore, #tpu.memory_space<semaphore_mem>>
      %dma_start3A_81 = arith.constant 0 : i32
      %dma_start3A_82 = tpu.memref_slice %arg4[%mul3A_80, %dma_start3A_81] : memref<16384x32xf32, #tpu.memory_space<hbm>> -> memref<128x32xf32, #tpu.memory_space<hbm>>
      %dma_start3A_83 = arith.constant 0 : i32
      %dma_start3A_84 = tpu.memref_slice %arg4[%mul3A_80, %dma_start3A_83] : memref<16384x32xf32, #tpu.memory_space<hbm>> -> memref<128x32xf32, #tpu.memory_space<hbm>>
      tpu.enqueue_dma source(%arg6 : memref<128x32xf32, #tpu.memory_space<vmem>>) target(%dma_start3A_84 : memref<128x32xf32, #tpu.memory_space<hbm>>) target_semaphore(%run_scoped3A : memref<!tpu.dma_semaphore, #tpu.memory_space<semaphore_mem>>)
      %dma_wait3A_85 = arith.constant 0 : i32
      %dma_wait3A_86 = tpu.memref_slice %arg4[%mul3A_80, %dma_wait3A_85] : memref<16384x32xf32, #tpu.memory_space<hbm>> -> memref<128x32xf32, #tpu.memory_space<hbm>>
      %dma_wait3A_87 = arith.constant 0 : i32
      %dma_wait3A_88 = tpu.memref_slice %arg4[%mul3A_80, %dma_wait3A_87] : memref<16384x32xf32, #tpu.memory_space<hbm>> -> memref<128x32xf32, #tpu.memory_space<hbm>>
      tpu.wait_dma2 semaphore(%run_scoped3A : memref<!tpu.dma_semaphore, #tpu.memory_space<semaphore_mem>>) src(%arg6 : memref<128x32xf32, #tpu.memory_space<vmem>>) dst(%dma_wait3A_88 : memref<128x32xf32, #tpu.memory_space<hbm>>)
      tpu.yield
    }) : () -> ()
    return
  }
}

module attributes {stable_mosaic.version = 14 : i64} {
  func.func @_assign_body(%arg0: i32, %arg1: memref<512x32xf32, #tpu.memory_space<vmem>>, %arg2: memref<32x8192xf32, #tpu.memory_space<vmem>>, %arg3: memref<1x8192xf32, #tpu.memory_space<vmem>>, %arg4: memref<512x1xi32, #tpu.memory_space<vmem>>, %arg5: memref<1x1xf32, #tpu.memory_space<vmem>>, %arg6: memref<1xf32, #tpu.memory_space<smem>>) attributes {dimension_semantics = [#tpu.dimension_semantics<arbitrary>], iteration_bounds = array<i64: 32>, scalar_prefetch = 0 : i64, scratch_operands = 1 : i64, tpu.core_type = #tpu.core_type<tc>, window_params = [{transform_indices = @transform_0, window_bounds = array<i64: 512, 32>}, {pipeline_mode = #tpu.pipeline_mode<synchronous>, transform_indices = @transform_1, window_bounds = array<i64: 32, 8192>}, {pipeline_mode = #tpu.pipeline_mode<synchronous>, transform_indices = @transform_2, window_bounds = array<i64: 1, 8192>}, {transform_indices = @transform_3, window_bounds = array<i64: 512, 1>}, {pipeline_mode = #tpu.pipeline_mode<synchronous>, transform_indices = @transform_4, window_bounds = array<i64: 1, 1>}]} {
    %get3A = arith.constant 0 : index
    %get3A_0 = arith.constant 0 : index
    %get3A_1 = vector.load %arg1[%get3A, %get3A_0] : memref<512x32xf32, #tpu.memory_space<vmem>>, vector<512x32xf32>
    %mul3A = arith.mulf %get3A_1, %get3A_1 : vector<512x32xf32>
    %reduce_sum3A = arith.constant dense<0.000000e+00> : vector<512xf32>
    %reduce_sum3A_2 = vector.multi_reduction <add>, %mul3A, %reduce_sum3A [1] : vector<512x32xf32> to vector<512xf32>
    %broadcast_in_dim3A = vector.shape_cast %reduce_sum3A_2 : vector<512xf32> to vector<512x1xf32>
    %broadcast_in_dim3A_3 = arith.constant 0x7F800000 : f32
    %broadcast_in_dim3A_4 = vector.broadcast %broadcast_in_dim3A_3 : f32 to vector<512x1xf32>
    %broadcast_in_dim3A_5 = arith.constant 0 : i32
    %broadcast_in_dim3A_6 = vector.broadcast %broadcast_in_dim3A_5 : i32 to vector<512x1xi32>
    %broadcast_in_dim3A_7 = arith.constant 0x7F800000 : f32
    %broadcast_in_dim3A_8 = vector.broadcast %broadcast_in_dim3A_7 : f32 to vector<512x1xf32>
    %iota3A = tpu.iota {dimensions = array<i32: 1>} : vector<512x4096xi32>
    %convert_element_type3A = arith.sitofp %iota3A : vector<512x4096xi32> to vector<512x4096xf32>
    %get3A_9 = arith.constant 0 : index
    %get3A_10 = arith.constant 0 : index
    %get3A_11 = vector.load %arg2[%get3A_9, %get3A_10] : memref<32x8192xf32, #tpu.memory_space<vmem>>, vector<32x4096xf32>
    %get3A_12 = arith.constant 0 : index
    %get3A_13 = arith.constant 0 : index
    %get3A_14 = vector.load %arg3[%get3A_12, %get3A_13] : memref<1x8192xf32, #tpu.memory_space<vmem>>, vector<1x4096xf32>
    %dot_general3A = arith.constant dense<0.000000e+00> : vector<512x4096xf32>
    %dot_general3A_15 = tpu.matmul %get3A_1, %get3A_11, %dot_general3A {dimension_numbers = #tpu.dot_dimension_numbers<[1], [0], [0], [1], [0, 0, 1, 1], [], []>, transpose_lhs_hint = false} : vector<512x32xf32>, vector<32x4096xf32>, vector<512x4096xf32> -> vector<512x4096xf32>
    %mul3A_16 = arith.constant 2.000000e+00 : f32
    %mul3A_17 = vector.broadcast %mul3A_16 : f32 to vector<512x4096xf32>
    %mul3A_18 = arith.mulf %mul3A_17, %dot_general3A_15 : vector<512x4096xf32>
    %sub3A = vector.broadcast %broadcast_in_dim3A : vector<512x1xf32> to vector<512x4096xf32>
    %sub3A_19 = arith.subf %sub3A, %mul3A_18 : vector<512x4096xf32>
    %add3A = vector.broadcast %get3A_14 : vector<1x4096xf32> to vector<512x4096xf32>
    %add3A_20 = arith.addf %sub3A_19, %add3A : vector<512x4096xf32>
    %reduce_min3A = arith.constant dense<0x7F800000> : vector<512xf32>
    %reduce_min3A_21 = vector.multi_reduction <minimumf>, %add3A_20, %reduce_min3A [1] : vector<512x4096xf32> to vector<512xf32>
    %broadcast_in_dim3A_22 = vector.shape_cast %reduce_min3A_21 : vector<512xf32> to vector<512x1xf32>
    %eq3A = vector.broadcast %broadcast_in_dim3A_22 : vector<512x1xf32> to vector<512x4096xf32>
    %eq3A_23 = arith.cmpf oeq, %add3A_20, %eq3A : vector<512x4096xf32>
    %jit3A = arith.constant 4.096000e+03 : f32
    %broadcast_in_dim3A_24 = vector.broadcast %jit3A : f32 to vector<512x4096xf32>
    %select_n3A = arith.select %eq3A_23, %convert_element_type3A, %broadcast_in_dim3A_24 : vector<512x4096xi1>, vector<512x4096xf32>
    %reduce_min3A_25 = arith.constant dense<0x7F800000> : vector<512xf32>
    %reduce_min3A_26 = vector.multi_reduction <minimumf>, %select_n3A, %reduce_min3A_25 [1] : vector<512x4096xf32> to vector<512xf32>
    %broadcast_in_dim3A_27 = vector.shape_cast %reduce_min3A_26 : vector<512xf32> to vector<512x1xf32>
    %convert_element_type3A_28 = arith.fptosi %broadcast_in_dim3A_27 : vector<512x1xf32> to vector<512x1xi32>
    %add3A_29 = arith.constant 0 : i32
    %add3A_30 = vector.broadcast %add3A_29 : i32 to vector<512x1xi32>
    %add3A_31 = arith.addi %convert_element_type3A_28, %add3A_30 : vector<512x1xi32>
    %lt3A = arith.cmpf olt, %broadcast_in_dim3A_4, %broadcast_in_dim3A_22 : vector<512x1xf32>
    %eq3A_32 = arith.cmpf oeq, %broadcast_in_dim3A_4, %broadcast_in_dim3A_22 : vector<512x1xf32>
    %lt3A_33 = arith.cmpi slt, %broadcast_in_dim3A_6, %add3A_31 : vector<512x1xi32>
    %and3A = arith.andi %eq3A_32, %lt3A_33 : vector<512x1xi1>
    %or3A = arith.ori %lt3A, %and3A : vector<512x1xi1>
    %select_n3A_34 = arith.select %or3A, %broadcast_in_dim3A_6, %add3A_31 : vector<512x1xi1>, vector<512x1xi32>
    %select_n3A_35 = arith.select %or3A, %broadcast_in_dim3A_4, %broadcast_in_dim3A_22 : vector<512x1xi1>, vector<512x1xf32>
    %convert_element_type3A_36 = arith.truncf %select_n3A_35 : vector<512x1xf32> to vector<512x1xbf16>
    %convert_element_type3A_37 = arith.extf %convert_element_type3A_36 : vector<512x1xbf16> to vector<512x1xf32>
    %min3A = arith.minimumf %broadcast_in_dim3A_8, %broadcast_in_dim3A_22 : vector<512x1xf32>
    %get3A_38 = arith.constant 0 : index
    %get3A_39 = arith.constant 4096 : index
    %get3A_40 = vector.load %arg2[%get3A_38, %get3A_39] : memref<32x8192xf32, #tpu.memory_space<vmem>>, vector<32x4096xf32>
    %get3A_41 = arith.constant 0 : index
    %get3A_42 = arith.constant 4096 : index
    %get3A_43 = vector.load %arg3[%get3A_41, %get3A_42] : memref<1x8192xf32, #tpu.memory_space<vmem>>, vector<1x4096xf32>
    %dot_general3A_44 = arith.constant dense<0.000000e+00> : vector<512x4096xf32>
    %dot_general3A_45 = tpu.matmul %get3A_1, %get3A_40, %dot_general3A_44 {dimension_numbers = #tpu.dot_dimension_numbers<[1], [0], [0], [1], [0, 0, 1, 1], [], []>, transpose_lhs_hint = false} : vector<512x32xf32>, vector<32x4096xf32>, vector<512x4096xf32> -> vector<512x4096xf32>
    %mul3A_46 = arith.constant 2.000000e+00 : f32
    %mul3A_47 = vector.broadcast %mul3A_46 : f32 to vector<512x4096xf32>
    %mul3A_48 = arith.mulf %mul3A_47, %dot_general3A_45 : vector<512x4096xf32>
    %sub3A_49 = vector.broadcast %broadcast_in_dim3A : vector<512x1xf32> to vector<512x4096xf32>
    %sub3A_50 = arith.subf %sub3A_49, %mul3A_48 : vector<512x4096xf32>
    %add3A_51 = vector.broadcast %get3A_43 : vector<1x4096xf32> to vector<512x4096xf32>
    %add3A_52 = arith.addf %sub3A_50, %add3A_51 : vector<512x4096xf32>
    %reduce_min3A_53 = arith.constant dense<0x7F800000> : vector<512xf32>
    %reduce_min3A_54 = vector.multi_reduction <minimumf>, %add3A_52, %reduce_min3A_53 [1] : vector<512x4096xf32> to vector<512xf32>
    %broadcast_in_dim3A_55 = vector.shape_cast %reduce_min3A_54 : vector<512xf32> to vector<512x1xf32>
    %eq3A_56 = vector.broadcast %broadcast_in_dim3A_55 : vector<512x1xf32> to vector<512x4096xf32>
    %eq3A_57 = arith.cmpf oeq, %add3A_52, %eq3A_56 : vector<512x4096xf32>
    %jit3A_58 = arith.constant 4.096000e+03 : f32
    %broadcast_in_dim3A_59 = vector.broadcast %jit3A_58 : f32 to vector<512x4096xf32>
    %select_n3A_60 = arith.select %eq3A_57, %convert_element_type3A, %broadcast_in_dim3A_59 : vector<512x4096xi1>, vector<512x4096xf32>
    %reduce_min3A_61 = arith.constant dense<0x7F800000> : vector<512xf32>
    %reduce_min3A_62 = vector.multi_reduction <minimumf>, %select_n3A_60, %reduce_min3A_61 [1] : vector<512x4096xf32> to vector<512xf32>
    %broadcast_in_dim3A_63 = vector.shape_cast %reduce_min3A_62 : vector<512xf32> to vector<512x1xf32>
    %convert_element_type3A_64 = arith.fptosi %broadcast_in_dim3A_63 : vector<512x1xf32> to vector<512x1xi32>
    %add3A_65 = arith.constant 4096 : i32
    %add3A_66 = vector.broadcast %add3A_65 : i32 to vector<512x1xi32>
    %add3A_67 = arith.addi %convert_element_type3A_64, %add3A_66 : vector<512x1xi32>
    %lt3A_68 = arith.cmpf olt, %convert_element_type3A_37, %broadcast_in_dim3A_55 : vector<512x1xf32>
    %eq3A_69 = arith.cmpf oeq, %convert_element_type3A_37, %broadcast_in_dim3A_55 : vector<512x1xf32>
    %lt3A_70 = arith.cmpi slt, %select_n3A_34, %add3A_67 : vector<512x1xi32>
    %and3A_71 = arith.andi %eq3A_69, %lt3A_70 : vector<512x1xi1>
    %or3A_72 = arith.ori %lt3A_68, %and3A_71 : vector<512x1xi1>
    %select_n3A_73 = arith.select %or3A_72, %select_n3A_34, %add3A_67 : vector<512x1xi1>, vector<512x1xi32>
    %min3A_74 = arith.minimumf %min3A, %broadcast_in_dim3A_55 : vector<512x1xf32>
    %swap3A = arith.constant 0 : index
    %swap3A_75 = arith.constant 0 : index
    %swap3A_76 = vector.load %arg4[%swap3A, %swap3A_75] : memref<512x1xi32, #tpu.memory_space<vmem>>, vector<512x1xi32>
    tpu.vector_store %arg4[%swap3A, %swap3A_75], %select_n3A_73 {strides = array<i32>} : memref<512x1xi32, #tpu.memory_space<vmem>>, vector<512x1xi32>,
    %eq3A_77 = arith.constant 0 : i32
    %eq3A_78 = arith.cmpi eq, %arg0, %eq3A_77 : i32
    %convert_element_type3A_79 = arith.extui %eq3A_78 : i1 to i32
    %cond3A = arith.constant 0 : i32
    %cond3A_80 = arith.cmpi ne, %convert_element_type3A_79, %cond3A : i32
    scf.if %cond3A_80 {
      %swap3A_96 = arith.constant 0.000000e+00 : f32
      %swap3A_97 = arith.constant 0 : index
      %swap3A_98 = memref.load %arg6[%swap3A_97] : memref<1xf32, #tpu.memory_space<smem>>
      memref.store %swap3A_96, %arg6[%swap3A_97] : memref<1xf32, #tpu.memory_space<smem>>
    } else {
    }
    %get3A_81 = arith.constant 0 : index
    %get3A_82 = memref.load %arg6[%get3A_81] : memref<1xf32, #tpu.memory_space<smem>>
    %reduce_sum3A_83 = vector.shape_cast %min3A_74 : vector<512x1xf32> to vector<1x512x1xf32>
    %reduce_sum3A_84 = arith.constant dense<0.000000e+00> : vector<1xf32>
    %reduce_sum3A_85 = vector.multi_reduction <add>, %reduce_sum3A_83, %reduce_sum3A_84 [1, 2] : vector<1x512x1xf32> to vector<1xf32>
    %reduce_sum3A_86 = vector.shape_cast %reduce_sum3A_85 : vector<1xf32> to vector<1x1x1xf32>
    %reduce_sum3A_87 = vector.extract %reduce_sum3A_86[0, 0, 0] : f32 from vector<1x1x1xf32>
    %add3A_88 = arith.addf %get3A_82, %reduce_sum3A_87 : f32
    %swap3A_89 = arith.constant 0 : index
    %swap3A_90 = memref.load %arg6[%swap3A_89] : memref<1xf32, #tpu.memory_space<smem>>
    memref.store %add3A_88, %arg6[%swap3A_89] : memref<1xf32, #tpu.memory_space<smem>>
    %eq3A_91 = arith.constant 31 : i32
    %eq3A_92 = arith.cmpi eq, %arg0, %eq3A_91 : i32
    %convert_element_type3A_93 = arith.extui %eq3A_92 : i1 to i32
    %cond3A_94 = arith.constant 0 : i32
    %cond3A_95 = arith.cmpi ne, %convert_element_type3A_93, %cond3A_94 : i32
    scf.if %cond3A_95 {
      %get3A_96 = arith.constant 0 : index
      %get3A_97 = memref.load %arg6[%get3A_96] : memref<1xf32, #tpu.memory_space<smem>>
      %mul3A_98 = arith.constant 2.38418579E-6 : f32
      %mul3A_99 = arith.mulf %get3A_97, %mul3A_98 : f32
      %broadcast_in_dim3A_100 = vector.broadcast %mul3A_99 : f32 to vector<1x1xf32>
      %swap3A_101 = arith.constant 0 : index
      %swap3A_102 = arith.constant 0 : index
      %swap3A_103 = vector.load %arg5[%swap3A_101, %swap3A_102] : memref<1x1xf32, #tpu.memory_space<vmem>>, vector<1x1xf32>
      tpu.vector_store %arg5[%swap3A_101, %swap3A_102], %broadcast_in_dim3A_100 {strides = array<i32>} : memref<1x1xf32, #tpu.memory_space<vmem>>, vector<1x1xf32>,
    } else {
    }
    return
  }
  func.func @transform_0(%arg0: i32) -> (i32, i32) {
    %c0_i32 = arith.constant 0 : i32
    %c0_i32_0 = arith.constant 0 : i32
    return %arg0, %c0_i32 : i32, i32
  }
  func.func @transform_1(%arg0: i32) -> (i32, i32) {
    %c0_i32 = arith.constant 0 : i32
    %c0_i32_0 = arith.constant 0 : i32
    %c0_i32_1 = arith.constant 0 : i32
    return %c0_i32, %c0_i32_0 : i32, i32
  }
  func.func @transform_2(%arg0: i32) -> (i32, i32) {
    %c0_i32 = arith.constant 0 : i32
    %c0_i32_0 = arith.constant 0 : i32
    %c0_i32_1 = arith.constant 0 : i32
    return %c0_i32, %c0_i32_0 : i32, i32
  }
  func.func @transform_3(%arg0: i32) -> (i32, i32) {
    %c0_i32 = arith.constant 0 : i32
    %c0_i32_0 = arith.constant 0 : i32
    return %arg0, %c0_i32 : i32, i32
  }
  func.func @transform_4(%arg0: i32) -> (i32, i32) {
    %c0_i32 = arith.constant 0 : i32
    %c0_i32_0 = arith.constant 0 : i32
    %c0_i32_1 = arith.constant 0 : i32
    return %c0_i32, %c0_i32_0 : i32, i32
  }
}

</mosaic_0001>

<sc_bundles>
// kernel: kernel.4.cloned.1.call-start
scs
__scs_entry_jumppad:
0x0: {  	(pc) =	sbr.rel $0x88, $3  }
0x1: {  	(tag) =	ssettag $0x0;
	lr =	simm.s32 $0x1  }
0x2: {  	[smem:$0x3F9F] =	sst lr;
	_ =	strace $0xD0000000  }
0x3: {  	_ = 	snop  }
0x4: {  	_ = 	snop  }
0x5: {  	_ = 	snop  }
0x6: {  	_ = 	snop  }
0x7: {  	_ = 	snop  }
__scs_overlays_trampoline_lowered:
0x8: {  	[smem:$0x3FAE] =	sst s0  }
0x9: {  	[smem:$0x3FAF] =	sst s1  }
0xa: {  	[smem:$0x3FB0] =	sst s2  }
0xb: {  	[smem:$0x3FB1] =	sst s3  }
0xc: {  	[smem:$0x3FB2] =	sst s4  }
0xd: {  	[smem:$0x3FB3] =	sst s5  }
0xe: {  	[smem:$0x3FB4] =	sst s6  }
0xf: {  	[smem:$0x3FB5] =	sst s7  }
0x10: {  	[smem:$0x3FB6] =	sst s8  }
0x11: {  	[smem:$0x3FB7] =	sst s9;
	s0 =	simm.s32 @!p0 $0x0  }
0x12: {  	s1 =	sld [smem:$0x3F9D];
	s0 =	simm.s32 @p0 $0x1  }
0x13: {  	[smem:$0x3FB8] =	sst s0;
	s0 =	simm.s32 @!p1 $0x0  }
0x14: {  	s2 =	sld [smem:$0x3F9C];
	s0 =	simm.s32 @p1 $0x1  }
0x15: {  	[smem:$0x3FB9] =	sst s0;
	s0 =	simm.s32 @!p2 $0x0  }
0x16: {  	s3 =	sld [smem:$0x3FDB];
	s0 =	simm.s32 @p2 $0x1  }
0x17: {  	s4 =	simm.s32 $0x1BF5;
	[smem:$0x3FBB] =	sst s0  }
0x18: {  	s0 =	sld [smem:$0x3F9E];
	_ =	swait.ge [sflag:s4], $0x0  }
0x19: {  	s7 =	sld [smem:$0x3F9F]  }
0x1a: {  	s8 =	sadd.s32 $0xFFFFE003, lr  }
0x1b: {  	s9 =	sadd.s32 $0xFFFFFEF7, lr;
	s5 =	simm.s32 $0xFFFFFFFF;
	p2 =	slt.u32 s8, $0xFFFFF086  }
0x1c: {  	p1 =	slt.u32 s9, $0xF7A;
	s5 =	simm.s32 @!p2 $0x0  }
0x1d: {  	s5 =	simm.s32 @p1 $0x1;
	p0 =	seq.s32 s7, s2  }
0x1e: {  	s7 =	smul.u32 @!p0 $0xF7A, s2;
	p2 =	seq.s32 @!p0 s5, $0x0  }
0x1f: {  	s9 =	smul.u32 $0xF7A, s1;
	s8 =	simm.s32 @!p0 $0x1BF5;
	p2 =	por !p2, p0  }
0x20: {  	[sflag:s8] =	ssyncset.s32 @!p0 $0xFFFFF086;
	s6 =	sadd.s32 @!p0 s3, s7;
	s7 =	simm.s32 @!p0 $0x108  }
0x21: {  	s3 =	sadd.s32 s3, s9;
	s6 =	sadd.s32 @!p0 $0x88, s6;
	s7 =	simm.s32 @p2 $0x1082  }
0x22: {  	[simem:s7], [sflag:s8] =	dma.local @!p0 [hbm:s6], $0xF7A  }
0x23: {  	s9 =	sor.u32 $0xD0000000, s2;
	s6 =	simm.s32 $0x108;
	_ =	swait.ge @!p0 [sflag:s8], $0x0  }
0x24: {  	s3 =	sadd.s32 $0x88, s3;
	s6 =	simm.s32 @!p1 $0x1082;
	[sflag:s4] =	ssyncset.s32 $0xFFFFF086  }
0x25: {  	[simem:s6], [sflag:s4] =	dma.local [hbm:s3], $0xF7A  }
0x26: {  	[smem:$0x3F9F] =	sst s1;
	(tag) =	ssettag s2;
	_ =	strace s9  }
0x27: {  	s1 =	sld [smem:$0x3FAF]  }
0x28: {  	s2 =	sld [smem:$0x3FB0]  }
0x29: {  	s4 =	sld [smem:$0x3FB2]  }
0x2a: {  	p0 =	seq.s32 s5, $0x0;
	s5 =	sld [smem:$0x3FB3]  }
0x2b: {  	s6 =	sld [smem:$0x3FB4]  }
0x2c: {  	s7 =	sld [smem:$0x3FB5]  }
0x2d: {  	s3 =	simm.s32 $0x108;
	s8 =	sld [smem:$0x3FB6]  }
0x2e: {  	s3 =	simm.s32 @!p0 $0x1082;
	s9 =	sld [smem:$0x3FB7]  }
0x2f: {  	lr =	sadd.s32 s0, s3;
	s0 =	sld [smem:$0x3FAE]  }
0x30: {  	s3 =	sld [smem:$0x3FB1]  }
0x31: {  	[smem:$0x3FBA] =	sst s10  }
0x32: {  	s10 =	sld [smem:$0x3FB8];
	_ =	sdelay $0x3  }
0x33: {  	p0 =	seq.s32 s10, $0x1;
	s10 =	sld [smem:$0x3FBA];
	_ =	sdelay $0x3  }
0x34: {  	[smem:$0x3FBA] =	sst s10  }
0x35: {  	s10 =	sld [smem:$0x3FB9];
	_ =	sdelay $0x3  }
0x36: {  	p1 =	seq.s32 s10, $0x1;
	s10 =	sld [smem:$0x3FBA];
	_ =	sdelay $0x3  }
0x37: {  	[smem:$0x3FBA] =	sst s10  }
0x38: {  	s10 =	sld [smem:$0x3FBB]  }
0x39: {  	_ = 	snop;
	(pc) =	sbr.ind lr, $3  }
0x3a: {  	_ = 	snop  }
0x3b: {  	_ = 	snop  }
0x3c: {  	p2 =	seq.s32 s10, $0x1;
	s10 =	sld [smem:$0x3FBA]  }
0x3d: {  	_ =	shalt  }
0x3e: {  	_ =	shalt  }
0x3f: {  	_ =	shalt  }
0x40: {  	_ =	shalt  }
0x41: {  	_ =	shalt  }
0x42: {  	_ =	shalt  }
0x43: {  	_ =	shalt  }
0x44: {  	_ =	shalt  }
0x45: {  	_ =	shalt  }
0x46: {  	_ =	shalt  }
0x47: {  	_ =	shalt  }
0x48: {  	_ =	shalt  }
0x49: {  	_ =	shalt  }
0x4a: {  	_ =	shalt  }
0x4b: {  	_ =	shalt  }
0x4c: {  	_ =	shalt  }
0x4d: {  	_ =	shalt  }
0x4e: {  	_ =	shalt  }
0x4f: {  	_ =	shalt  }
0x50: {  	_ =	shalt  }
0x51: {  	_ =	shalt  }
0x52: {  	_ =	shalt  }
0x53: {  	_ =	shalt  }
0x54: {  	_ =	shalt  }
0x55: {  	_ =	shalt  }
0x56: {  	_ =	shalt  }
0x57: {  	_ =	shalt  }
0x58: {  	_ =	shalt  }
0x59: {  	_ =	shalt  }
0x5a: {  	_ =	shalt  }
0x5b: {  	_ =	shalt  }
0x5c: {  	_ =	shalt  }
0x5d: {  	_ =	shalt  }
0x5e: {  	_ =	shalt  }
0x5f: {  	_ =	shalt  }
0x60: {  	_ =	shalt  }
0x61: {  	_ =	shalt  }
0x62: {  	_ =	shalt  }
0x63: {  	_ =	shalt  }
0x64: {  	_ =	shalt  }
0x65: {  	_ =	shalt  }
0x66: {  	_ =	shalt  }
0x67: {  	_ =	shalt  }
0x68: {  	_ =	shalt  }
0x69: {  	_ =	shalt  }
0x6a: {  	_ =	shalt  }
0x6b: {  	_ =	shalt  }
0x6c: {  	_ =	shalt  }
0x6d: {  	_ =	shalt  }
0x6e: {  	_ =	shalt  }
0x6f: {  	_ =	shalt  }
0x70: {  	_ =	shalt  }
0x71: {  	_ =	shalt  }
0x72: {  	_ =	shalt  }
0x73: {  	_ =	shalt  }
0x74: {  	_ =	shalt  }
0x75: {  	_ =	shalt  }
0x76: {  	_ =	shalt  }
0x77: {  	_ =	shalt  }
0x78: {  	_ =	shalt  }
0x79: {  	_ =	shalt  }
0x7a: {  	_ =	shalt  }
0x7b: {  	_ =	shalt  }
0x7c: {  	_ =	shalt  }
0x7d: {  	_ =	shalt  }
0x7e: {  	_ =	shalt  }
0x7f: {  	_ =	shalt  }
0x80: {  	_ =	shalt  }
0x81: {  	_ =	shalt  }
0x82: {  	_ =	shalt  }
0x83: {  	_ =	shalt  }
0x84: {  	_ =	shalt  }
0x85: {  	_ =	shalt  }
0x86: {  	_ =	shalt  }
0x87: {  	_ =	shalt  }
.Lfunc_end0:
.L_simem_size_0:
called_computation_lowered:
.L_overlay_start_0:
0x88: {  	s2 =	sld [smem:$0x3FD9]  }
0x89: {  	s3 =	sld [smem:$0x3FFE];
	_ =	sdelay $0x1  }
0x8a: {  	s1 =	srdreg.scid  }
0x8b: {  	s0 =	sand.u32 $0x1, s1  }
0x8c: {  	s14 =	sshll.u32 s0, $0xA;
	s2 =	sadd.s32 s3, s2  }
0x8d: {  	s2 =	sadd.s32 s2, s14  }
0x8e: {  	[smem:$0x3FC6] =	sst s2  }
0x8f: {  	_ = 	snop  }
0x90: {  	s2 =	sld [smem:$0x3FD0];
	_ =	sdelay $0x2  }
0x91: {  	s15 =	simm.s32 $0xA;
	s4 =	simm.s32 $0x10  }
0x92: {  	[smem:s4], [sflag:s15] =	dma.local [hbm:s2], $0x1  }
0x93: {  	_ =	swait.eq [sflag:s15], $0x1  }
0x94: {  	[sflag:s15] =	ssyncset.done $0x0  }
0x95: {  	[sflag:s15] =	ssyncadd.s32 $0xFFFFFFFF  }
0x96: {  	s16 =	sld [smem:$0x10];
	(tm) =	ssettm $0x1  }
0x97: {  	s17 =	sld [smem:$0x3FFB];
	_ =	sdelay $0x3  }
0x98: {  	_ =	strace s17  }
0x99: {  	s3 =	sld [smem:$0x3FFC];
	_ =	sdelay $0x3  }
0x9a: {  	_ =	strace s3  }
0x9b: {  	s3 =	sld [smem:$0x3FFD];
	_ =	sdelay $0x3  }
0x9c: {  	_ =	strace s3  }
0x9d: {  	_ =	strace $0x8FFFFFFF  }
0x9e: {  	s18 =	sld [smem:$0x3FDB];
	_ =	sdelay $0x1  }
0x9f: {  	s19 =	simm.s32 $_scs_section_size  }
0xa0: {  	s5 =	simm.s32 $_size__tile_overlayer_lowered;
	s6 =	simm.s32 $_tile_overlayer_lowered  }
0xa1: {  	s22 =	simm.s32 $0x1BFF;
	s21 =	sshll.u32 s6, $0x1;
	s3 =	sadd.s32 s19, s18  }
0xa2: {  	s7 =	simm.s32 $0x0;
	s20 =	sshll.u32 s5, $0x1;
	s5 =	sadd.s32 s21, s3  }
0xa3: {  	[timem:s7], [sflag:s22] =	dma.local [hbm:s5], s20  }
0xa4: {  	_ =	swait.ge [sflag:s22], s20  }
0xa5: {  	s4 =	ssub.s32 $0x0, s20;
	[sflag:s22] =	ssyncset.done $0x0  }
0xa6: {  	[sflag:s22] =	ssyncadd.s32 s4;
	_ =	sdelay $0x1  }
0xa7: {  	s23 =	simm.s32 $0x1B8B  }
0xa8: {  	_ =	swait.ge [sflag:s23], $0x1  }
0xa9: {  	[sflag:s23] =	ssyncset.done $0x0  }
0xaa: {  	s25 =	simm.s32 $0x1B8E;
	s24 =	sld [smem:$0x3FFE];
	[sflag:s23] =	ssyncadd.s32 $0xFFFFFFFF  }
0xab: {  	s26 =	simm.s32 $execute0_lowered;
	[smem:$0x3FD2] =	sst s25  }
0xac: {  	s5 =	sshll.u32 s26, $0x1;
	_ =	strace $0x80000046;
	[dreg:$0x1] =	wrdreg $0xFFFFFFFF  }
0xad: {  	s28 =	simm.s32 $_size_execute0_lowered;
	s3 =	sadd.s32 s3, s5;
	[dreg:$0x0] =	wrdreg $0x0  }
0xae: {  	s5 =	sshll.u32 s28, $0x1;
	[dreg:$0x2] =	wrdreg s3  }
0xaf: {  	[dreg:$0x3] =	wrdreg s5  }
0xb0: {  	[dreg:$0x4] =	wrdreg $0xC0  }
0xb1: {  	_ =	task [dreg:s7], $0x5FFFF  }
0xb2: {  	[dreg:$0x1] =	wrdreg $0xFFFFFFFF  }
0xb3: {  	[dreg:$0x0] =	wrdreg $0x60  }
0xb4: {  	[dreg:$0x2] =	wrdreg s24  }
0xb5: {  	[dreg:$0x3] =	wrdreg s16  }
0xb6: {  	[dreg:$0x4] =	wrdreg $0x9  }
0xb7: {  	_ =	task.clear_ibuf [dreg:s7], $0x5FFFF;
	_ =	strace $0x90000046  }
0xb8: {  	s29 =	simm.s32 $0x9;
	_ =	strace $0x80000048  }
0xb9: {  	_ =	swait.ge [sflag:s29], $0x1  }
0xba: {  	[sflag:s29] =	ssyncadd.s32 $0xFFFFFFFF  }
0xbb: {  	_ =	strace $0x90000048  }
0xbc: {  	_ =	sfence  }
0xbd: {  	s30 =	sld [smem:$0x0];
	_ =	sdelay $0x2  }
0xbe: {  	s31 =	sshll.u32 s1, $0xD;
	s1 =	sshrl.u32 s1, $0x2  }
0xbf: {  	s3 =	sand.u32 $0x4000, s31;
	s1 =	sadd.s32 s1, s30  }
0xc0: {  	s0 =	sor.u32 s3, s0;
	s1 =	sshll.u32 s1, $0x11  }
0xc1: {  	s0 =	sor.u32 s1, s0  }
0xc2: {  	s0 =	sadd.s32 $0x8F2B, s0  }
0xc3: {  	[sflag:s0] =	ssyncadd.remote.s32 $0x1  }
0xc4: {  	_ =	sfence.sel $0xFFFF  }
0xc5: {  	[dreg:$0x0] =	wrdreg $0xFFFFFFFF;
	(pc) =	sbr.abs _section_cstart, $3  }
0xc6: {  	[dreg:$0x1] =	wrdreg $0xFFFFFFFF  }
0xc7: {  	_ =	task.clear_ibuf [dreg:s7], $0x2FFFF;
	_ =	strace $0x9FFFFFFF  }
0xc8: {  	(tm) =	ssettm $0x7FFFFFFF  }
0xc9: {  	_ =	shalt  }
tec
execute0_lowered:
.L_overlay_start_1:
0x0: {  	(tag) =	ssettag $0x1  }
0x1: {  	s1 =	srdreg.scid;
	s0 =	stileid.u32  }
0x2: {  	s5 =	rddreg [dreg:$0x0];
	s13 =	sand.u32 $0x1, s1;
	s31 =	sshll.u32 s0, $0x1  }
0x3: {  	s9 =	rddreg [dreg:$0x1];
	s10 =	sor.u32 s13, s31  }
0x4: {  	s2 =	simm.s32 $0x0;
	s1 =	rddreg [dreg:$0x2];
	s3 =	sshll.u32 s10, $0x6  }
0x5: {  	[smem:$0x7FF] =	sst s2;
	s3 =	sadd.s32 s3, s5  }
0x6: {  	_ =	strace $0x80000047;
	s4 =	sadd.s32 $0x8200, s3;
	s3 =	simm.s32 $0x2  }
0x7: {  	[tilespmem:s2], [sflag:$0x2] =	stream.linear.gather [hbm4b:s4+s2], $0x200, $0x38;
	[tilespmem:$0x1200] =	vst v63  }
0x8: {  	_ =	swait.ge [sflag:s3], $0x200  }
0x9: {  	s6 =	simm.s32 $0x80;
	s7 =	simm.s32 $0x200;
	[sflag:s3] =	ssyncset.done $0x0  }
0xa: {  	s8 =	simm.s32 $0x1;
	s5 =	sadd.s32 $0x200, s5;
	[sflag:s3] =	ssyncadd.s32 $0xFFFFFE00  }
0xb: {  	[tilespmem:s7], [sflag:$0x1] =	stream.indirect.gather [hbm4b:s5+s6], $0x20, s2, s6, $0xb8;
	[tilespmem:$0x1200] =	vst v63  }
0xc: {  	_ =	swait.ge [sflag:s8], $0x1000  }
0xd: {  	s10 =	sshll.u32 s10, $0xB;
	[sflag:s8] =	ssyncset.done $0x0  }
0xe: {  	s9 =	sadd.s32 s9, s10;
	[sflag:s8] =	ssyncadd.s32 $0xFFFFF000  }
0xf: {  	[hbm4b:s9+s2] =	stream.linear.scatter [tilespmem:s7], [sflag:$0x2], $0x1000, $0x38;
	[tilespmem:$0x1200] =	vst v63  }
0x10: {  	_ =	swait.ge [sflag:s3], $0x1000  }
0x11: {  	[sflag:s3] =	ssyncset.done $0x0  }
0x12: {  	[sflag:s3] =	ssyncadd.s32 $0xFFFFF000  }
0x13: {  	[tilespmem:s7], [sflag:$0x1] =	stream.indirect.gather [hbm4b:s5+s6], $0x20, s6, s6, $0xb8;
	[tilespmem:$0x1200] =	vst v63  }
0x14: {  	_ =	swait.ge [sflag:s8], $0x1000  }
0x15: {  	[sflag:s8] =	ssyncset.done $0x0  }
0x16: {  	s10 =	sadd.s32 $0x200, s9;
	[sflag:s8] =	ssyncadd.s32 $0xFFFFF000  }
0x17: {  	[hbm4b:s10+s2] =	stream.linear.scatter [tilespmem:s7], [sflag:$0x2], $0x1000, $0x38;
	[tilespmem:$0x1200] =	vst v63  }
0x18: {  	_ =	swait.ge [sflag:s3], $0x1000  }
0x19: {  	[sflag:s3] =	ssyncset.done $0x0  }
0x1a: {  	s11 =	simm.s32 $0x100;
	[sflag:s3] =	ssyncadd.s32 $0xFFFFF000  }
0x1b: {  	[tilespmem:s7], [sflag:$0x1] =	stream.indirect.gather [hbm4b:s5+s6], $0x20, s11, s6, $0xb8;
	[tilespmem:$0x1200] =	vst v63  }
0x1c: {  	_ =	swait.ge [sflag:s8], $0x1000  }
0x1d: {  	[sflag:s8] =	ssyncset.done $0x0  }
0x1e: {  	s14 =	ssub.s32 $0x2, s13;
	s12 =	sadd.s32 $0x400, s9;
	[sflag:s8] =	ssyncadd.s32 $0xFFFFF000  }
0x1f: {  	[hbm4b:s12+s2] =	stream.linear.scatter [tilespmem:s7], [sflag:$0x2], $0x1000, $0x38;
	[tilespmem:$0x1200] =	vst v63  }
0x20: {  	s15 =	sshrl.u32 s14, $0x1;
	_ =	swait.ge [sflag:s3], $0x1000  }
0x21: {  	s15 =	ssub.s32 s14, s15;
	[sflag:s3] =	ssyncset.done $0x0  }
0x22: {  	s13 =	simm.s32 $0x180;
	s15 =	smax.u32 s15, $0x1;
	[sflag:s3] =	ssyncadd.s32 $0xFFFFF000  }
0x23: {  	[tilespmem:s7], [sflag:$0x1] =	stream.indirect.gather [hbm4b:s5+s6], $0x20, s13, s6, $0xb8;
	[tilespmem:$0x1200] =	vst v63  }
0x24: {  	p0 =	sne.s32 s15, $0x1;
	_ =	swait.ge [sflag:s8], $0x1000  }
.Ltmp0:
0x25: {  	[sflag:s8] =	ssyncset.done $0x0;
	(pc) =	sbr.rel @!p0 .LBB2_2-.Ltmp0, $4  }
0x26: {  	s14 =	sadd.s32 $0x600, s9;
	[sflag:s8] =	ssyncadd.s32 $0xFFFFF000  }
0x27: {  	[hbm4b:s14+s2] =	stream.linear.scatter [tilespmem:s7], [sflag:$0x2], $0x1000, $0x38;
	[tilespmem:$0x1200] =	vst v63  }
0x28: {  	_ =	swait.ge [sflag:s3], $0x1000  }
0x29: {  	s15 =	sadd.s32 $0xFFFFFFFF, s15;
	[sflag:s3] =	ssyncset.done $0x0  }
.LBB2_1:
0x2a: {  	p0 =	sne.s32 s15, $0x1;
	s15 =	sadd.s32 $0xFFFFFFFF, s15;
	[sflag:s3] =	ssyncadd.s32 $0xFFFFF000  }
0x2b: {  	[tilespmem:s2], [sflag:$0x2] =	stream.linear.gather [hbm4b:s4+s2], $0x200, $0x38;
	[tilespmem:$0x1200] =	vst v63  }
0x2c: {  	_ =	swait.ge [sflag:s3], $0x200  }
0x2d: {  	[sflag:s3] =	ssyncset.done $0x0  }
0x2e: {  	[sflag:s3] =	ssyncadd.s32 $0xFFFFFE00  }
0x2f: {  	[tilespmem:s7], [sflag:$0x1] =	stream.indirect.gather [hbm4b:s5+s6], $0x20, s2, s6, $0xb8;
	[tilespmem:$0x1200] =	vst v63  }
0x30: {  	_ =	swait.ge [sflag:s8], $0x1000  }
0x31: {  	[sflag:s8] =	ssyncset.done $0x0  }
0x32: {  	[sflag:s8] =	ssyncadd.s32 $0xFFFFF000  }
0x33: {  	[hbm4b:s9+s2] =	stream.linear.scatter [tilespmem:s7], [sflag:$0x2], $0x1000, $0x38;
	[tilespmem:$0x1200] =	vst v63  }
0x34: {  	_ =	swait.ge [sflag:s3], $0x1000  }
0x35: {  	[sflag:s3] =	ssyncset.done $0x0  }
0x36: {  	[sflag:s3] =	ssyncadd.s32 $0xFFFFF000  }
0x37: {  	[tilespmem:s7], [sflag:$0x1] =	stream.indirect.gather [hbm4b:s5+s6], $0x20, s6, s6, $0xb8;
	[tilespmem:$0x1200] =	vst v63  }
0x38: {  	_ =	swait.ge [sflag:s8], $0x1000  }
0x39: {  	[sflag:s8] =	ssyncset.done $0x0  }
0x3a: {  	[sflag:s8] =	ssyncadd.s32 $0xFFFFF000  }
0x3b: {  	[hbm4b:s10+s2] =	stream.linear.scatter [tilespmem:s7], [sflag:$0x2], $0x1000, $0x38;
	[tilespmem:$0x1200] =	vst v63  }
0x3c: {  	_ =	swait.ge [sflag:s3], $0x1000  }
0x3d: {  	[sflag:s3] =	ssyncset.done $0x0  }
0x3e: {  	[sflag:s3] =	ssyncadd.s32 $0xFFFFF000  }
0x3f: {  	[tilespmem:s7], [sflag:$0x1] =	stream.indirect.gather [hbm4b:s5+s6], $0x20, s11, s6, $0xb8;
	[tilespmem:$0x1200] =	vst v63  }
0x40: {  	_ =	swait.ge [sflag:s8], $0x1000  }
0x41: {  	[sflag:s8] =	ssyncset.done $0x0  }
0x42: {  	[sflag:s8] =	ssyncadd.s32 $0xFFFFF000  }
0x43: {  	[hbm4b:s12+s2] =	stream.linear.scatter [tilespmem:s7], [sflag:$0x2], $0x1000, $0x38;
	[tilespmem:$0x1200] =	vst v63  }
0x44: {  	_ =	swait.ge [sflag:s3], $0x1000  }
0x45: {  	[sflag:s3] =	ssyncset.done $0x0  }
0x46: {  	[sflag:s3] =	ssyncadd.s32 $0xFFFFF000  }
0x47: {  	[tilespmem:s7], [sflag:$0x1] =	stream.indirect.gather [hbm4b:s5+s6], $0x20, s13, s6, $0xb8;
	[tilespmem:$0x1200] =	vst v63  }
0x48: {  	_ =	swait.ge [sflag:s8], $0x1000  }
.Ltmp1:
0x49: {  	[sflag:s8] =	ssyncset.done $0x0;
	(pc) =	sbr.rel @p0 .LBB2_1-.Ltmp1, $4  }
0x4a: {  	[sflag:s8] =	ssyncadd.s32 $0xFFFFF000  }
0x4b: {  	[hbm4b:s14+s2] =	stream.linear.scatter [tilespmem:s7], [sflag:$0x2], $0x1000, $0x38;
	[tilespmem:$0x1200] =	vst v63  }
0x4c: {  	_ =	swait.ge [sflag:s3], $0x1000  }
0x4d: {  	[sflag:s3] =	ssyncset.done $0x0  }
.LBB2_2:
0x4e: {  	[sflag:s3] =	ssyncadd.s32 $0xFFFFF000  }
0x4f: {  	_ =	sfence.sel $0x180000  }
0x50: {  	[bflag:$0x0] =	sbarrier.arrive $0xFFFF  }
0x51: {  	p0 =	sne.s32 s0, $0x0;
	_ =	strace $0x90000047  }
0x52: {  	s0 =	sadd.s32 @!p0 $0x100000, s1;
	[bflag:$0x2] =	sbarrier.arrive $0xFFFF  }
0x53: {  	[sflag:s0] =	ssyncadd.tile.s32 @!p0 $0x1;
	_ =	shalt  }
.Lfunc_end2:
_tile_overlayer_lowered:
.L_overlay_start_2:
0x54: {  	(tag) =	ssettag $0x2  }
0x55: {  	s0 =	rddreg [dreg:$0x0];
	s2 =	stileid.u32  }
0x56: {  	s1 =	rddreg [dreg:$0x1];
	p0 =	sne.s32 s2, $0x0  }
0x57: {  	s3 =	rddreg [dreg:$0x2];
	[bflag:$0x3] =	sbarrier.arrive $0xFFFF;
	s2 =	simm.s32 @!p0 $0x1C02  }
0x58: {  	[timem:s3], [sflag:s2] =	dma.local @!p0 [hbm:s0], s1  }
0x59: {  	s0 =	simm.s32 @!p0 $0x2  }
0x5a: {  	_ =	swait.ge @!p0 [sflag:s0], s1  }
0x5b: {  	s1 =	ssub.s32 @!p0 $0x0, s1;
	[sflag:s0] =	ssyncset.done @!p0 $0x0  }
0x5c: {  	[sflag:s0] =	ssyncadd.s32 @!p0 s1  }
0x5d: {  	[bflag:$0x3] =	sbarrier.arrive $0xFFFF  }
0x5e: {  	_ =	shalt  }

</sc_bundles>
